<compile_context>
chip_gen: v7x
topology: tpu7x:2x2x1
jax: 0.10.2.dev20260603
libtpu: 0.0.44.dev20260713+nightly
codegen_flags: <defaults>
</compile_context>

<pallas_src>
import functools

import jax
import jax.numpy as jnp
from jax import lax
from jax.experimental import pallas as pl
from jax.experimental.pallas import tpu as pltpu
from jax.experimental.pallas import tpu_sc as plsc

DEPTH = 63
BATCH = 16384
NUM_WORKERS = 16
ROWS = BATCH // NUM_WORKERS
FLAT = ROWS * DEPTH
LANES = 16
NCHUNK = 4
CROWS = ROWS // NCHUNK
CFLAT = CROWS * DEPTH

_mesh = plsc.VectorSubcoreMesh(core_axis_name="c", subcore_axis_name="s",
                               num_cores=1)


@functools.partial(
    pl.kernel,
    mesh=_mesh,
    out_type=jax.ShapeDtypeStruct((BATCH * DEPTH,), jnp.float32),
    scratch_types=[
        pltpu.VMEM((ROWS,), jnp.int32),
        pltpu.VMEM((FLAT,), jnp.float32),
        pltpu.SemaphoreType.DMA,
        pltpu.SemaphoreType.DMA,
    ],
    compiler_params=pltpu.CompilerParams(
        needs_layout_passes=False,
        skip_device_barrier=True,
        disable_bounds_checks=True,
        disable_semaphore_checks=True,
    ),
)
def _one_hot_sc(idx_hbm, out_hbm, idx_v, buf, sem_idx, sem_out):
    wid = lax.axis_index("s")
    out_base = wid * FLAT

    idx_cp = pltpu.async_copy(idx_hbm.at[pl.ds(wid * ROWS, ROWS)], idx_v,
                              sem_idx)

    zeros = jnp.zeros((LANES,), jnp.float32)
    ones = jnp.ones((LANES,), jnp.float32)
    lane_offs = lax.iota(jnp.int32, LANES) * DEPTH

    idx_waited = False
    copies = []
    for c in range(NCHUNK):
        base = c * CFLAT

        @plsc.parallel_loop(base, base + CFLAT, step=LANES, unroll=16)
        def _zero(i):
            buf[pl.ds(i, LANES)] = zeros

        if not idx_waited:
            idx_cp.wait()
            idx_waited = True

        row0 = c * CROWS

        @plsc.parallel_loop(row0, row0 + CROWS, step=LANES, unroll=4)
        def _scatter(r):
            cols = idx_v[pl.ds(r, LANES)]
            plsc.store_scatter(buf, [lane_offs + r * DEPTH + cols], ones)

        copies.append(
            pltpu.async_copy(
                buf.at[pl.ds(base, CFLAT)],
                out_hbm.at[pl.ds(out_base + base, CFLAT)],
                sem_out,
            )
        )
    for cp in copies:
        cp.wait()


def kernel(indices):
    return _one_hot_sc(indices).reshape(BATCH, DEPTH)

# --- scband reference (transcript-rebuilt; emitter-appended) ---
"""Pipeline reference for scband-categorical-one-hot-56066503082188 (READ-ONLY COPY).

The authoritative reference and input builder live on the scoring server;
editing this copy changes nothing except your own understanding.
"""

import jax, jax.numpy as jnp
import numpy as np

DEPTH = 63  # len(alphabet)=62 + 1 OOV bucket (unk=True)
BATCH = 16384

def setup_inputs(seed: int = 0) -> dict:
    key = jax.random.key(seed)
    # The original Keras model takes tf.string inputs and maps them to integer
    # indices via a static hash/lookup table (CategoricalIndex). Since the
    # lookup table is a fixed bijection from the 62-char alphabet to [0, 62)
    # (with OOV -> 62), we model the post-lookup integer indices directly.
    indices = jax.random.randint(key, (BATCH,), 0, DEPTH, dtype=jnp.int64 if jax.config.jax_enable_x64 else jnp.int32).astype(jnp.int32)
    return {"indices": indices}

def reference(indices) -> jnp.ndarray:
    # CategoricalIndex.lookup -> identity on pre-computed indices
    # OneHot: tf.one_hot(t, depth) with depth = len(alphabet) + 1 (unk)
    one_hot = jax.nn.one_hot(indices, DEPTH, dtype=jnp.float32)
    return one_hot

if __name__ == "__main__":
    import jax
    _d = setup_inputs()
    print(jax.jit(kernel)(*tuple(_d.values())))

</pallas_src>

<mosaic_0001>
#map = affine_map<(d0, d1) -> (0)>
module attributes {stable_mosaic.version = 14 : i64} {
  func.func @_one_hot_sc(%arg0: i32, %arg1: i32, %arg2: memref<16384xi32, #tpu.memory_space<hbm>>, %arg3: memref<1032192xf32, #tpu.memory_space<hbm>>, %arg4: memref<1024xi32, #tpu.memory_space<vmem>>, %arg5: memref<64512xf32, #tpu.memory_space<vmem>>, %arg6: memref<!tpu.dma_semaphore, #tpu.memory_space<semaphore_mem>>, %arg7: memref<!tpu.dma_semaphore, #tpu.memory_space<semaphore_mem>>) attributes {dimension_semantics = [#tpu.dimension_semantics<core_parallel>, #tpu.dimension_semantics<subcore_parallel>], iteration_bounds = array<i64: 1, 16>, scalar_prefetch = 0 : i64, scratch_operands = 4 : i64, tpu.core_type = #tpu.core_type<sc_vector_subcore>, window_params = [{transform_indices = #map}, {transform_indices = #map}]} {
    %mul3A = arith.constant 64512 : i32
    %mul3A_0 = arith.muli %arg1, %mul3A : i32
    %mul3A_1 = arith.constant 1024 : i32
    %mul3A_2 = arith.muli %arg1, %mul3A_1 : i32
    %dma_start3A = tpu.memref_slice %arg2[%mul3A_2] : memref<16384xi32, #tpu.memory_space<hbm>> -> memref<1024xi32, #tpu.memory_space<hbm>>
    %dma_start3A_3 = tpu.memref_slice %arg2[%mul3A_2] : memref<16384xi32, #tpu.memory_space<hbm>> -> memref<1024xi32, #tpu.memory_space<hbm>>
    tpu.enqueue_dma source(%dma_start3A_3 : memref<1024xi32, #tpu.memory_space<hbm>>) target(%arg4 : memref<1024xi32, #tpu.memory_space<vmem>>) target_semaphore(%arg6 : memref<!tpu.dma_semaphore, #tpu.memory_space<semaphore_mem>>)
    %broadcast_in_dim3A = arith.constant 0.000000e+00 : f32
    %broadcast_in_dim3A_4 = vector.broadcast %broadcast_in_dim3A : f32 to vector<16xf32>
    %broadcast_in_dim3A_5 = arith.constant 1.000000e+00 : f32
    %broadcast_in_dim3A_6 = vector.broadcast %broadcast_in_dim3A_5 : f32 to vector<16xf32>
    %iota3A = tpu.iota {dimensions = array<i32: 0>} : vector<16xi32>
    %mul3A_7 = arith.constant 63 : i32
    %mul3A_8 = vector.broadcast %mul3A_7 : i32 to vector<16xi32>
    %mul3A_9 = arith.muli %iota3A, %mul3A_8 : vector<16xi32>
    %parallel_loop3A = arith.constant 0 : i32
    %parallel_loop3A_10 = arith.constant 16128 : i32
    %parallel_loop3A_11 = arith.constant 16 : i32
    scf.for %parallel_loop3A_89 = %parallel_loop3A to %parallel_loop3A_10 step %parallel_loop3A_11  : i32 {
      %parallel_loop3A_90 = arith.index_cast %parallel_loop3A_89 : i32 to index
      %parallel_loop3A_91 = tpu.vector_load %arg5[%parallel_loop3A_90] {strides = array<i32>} : memref<64512xf32, #tpu.memory_space<vmem>>, vector<16xf32>,
      tpu.vector_store %arg5[%parallel_loop3A_90], %broadcast_in_dim3A_4 {strides = array<i32>} : memref<64512xf32, #tpu.memory_space<vmem>>, vector<16xf32>,
    } {sc.loop_unroll_factor = 16 : i64, sc.parallel_access}
    %dma_wait3A = tpu.memref_slice %arg2[%mul3A_2] : memref<16384xi32, #tpu.memory_space<hbm>> -> memref<1024xi32, #tpu.memory_space<hbm>>
    %dma_wait3A_12 = tpu.memref_slice %arg2[%mul3A_2] : memref<16384xi32, #tpu.memory_space<hbm>> -> memref<1024xi32, #tpu.memory_space<hbm>>
    tpu.wait_dma2 semaphore(%arg6 : memref<!tpu.dma_semaphore, #tpu.memory_space<semaphore_mem>>) src(%dma_wait3A_12 : memref<1024xi32, #tpu.memory_space<hbm>>) dst(%arg4 : memref<1024xi32, #tpu.memory_space<vmem>>)
    %parallel_loop3A_13 = arith.constant 0 : i32
    %parallel_loop3A_14 = arith.constant 256 : i32
    %parallel_loop3A_15 = arith.constant 16 : i32
    scf.for %parallel_loop3A_89 = %parallel_loop3A_13 to %parallel_loop3A_14 step %parallel_loop3A_15  : i32 {
      %parallel_loop3A_90 = arith.index_cast %parallel_loop3A_89 : i32 to index
      %parallel_loop3A_91 = tpu.vector_load %arg4[%parallel_loop3A_90] {strides = array<i32>} : memref<1024xi32, #tpu.memory_space<vmem>>, vector<16xi32>,
      %parallel_loop3A_92 = arith.constant 63 : i32
      %parallel_loop3A_93 = arith.muli %parallel_loop3A_89, %parallel_loop3A_92 : i32
      %parallel_loop3A_94 = vector.broadcast %parallel_loop3A_93 : i32 to vector<16xi32>
      %parallel_loop3A_95 = arith.addi %mul3A_9, %parallel_loop3A_94 : vector<16xi32>
      %parallel_loop3A_96 = arith.addi %parallel_loop3A_95, %parallel_loop3A_91 : vector<16xi32>
      tpu.vector_store_idx %arg5[%parallel_loop3A_96], %broadcast_in_dim3A_6 : memref<64512xf32, #tpu.memory_space<vmem>>[vector<16xi32>], vector<16xf32>,
    } {sc.loop_unroll_factor = 4 : i64, sc.parallel_access}
    %add3A = arith.constant 0 : i32
    %add3A_16 = arith.addi %mul3A_0, %add3A : i32
    %dma_start3A_17 = arith.constant 0 : i32
    %dma_start3A_18 = tpu.memref_slice %arg5[%dma_start3A_17] : memref<64512xf32, #tpu.memory_space<vmem>> -> memref<16128xf32, #tpu.memory_space<vmem>>
    %dma_start3A_19 = tpu.memref_slice %arg3[%add3A_16] : memref<1032192xf32, #tpu.memory_space<hbm>> -> memref<16128xf32, #tpu.memory_space<hbm>>
    %dma_start3A_20 = tpu.memref_slice %arg3[%add3A_16] : memref<1032192xf32, #tpu.memory_space<hbm>> -> memref<16128xf32, #tpu.memory_space<hbm>>
    %dma_start3A_21 = arith.constant 0 : i32
    %dma_start3A_22 = tpu.memref_slice %arg5[%dma_start3A_21] : memref<64512xf32, #tpu.memory_space<vmem>> -> memref<16128xf32, #tpu.memory_space<vmem>>
    tpu.enqueue_dma source(%dma_start3A_22 : memref<16128xf32, #tpu.memory_space<vmem>>) target(%dma_start3A_20 : memref<16128xf32, #tpu.memory_space<hbm>>) target_semaphore(%arg7 : memref<!tpu.dma_semaphore, #tpu.memory_space<semaphore_mem>>)
    %parallel_loop3A_23 = arith.constant 16128 : i32
    %parallel_loop3A_24 = arith.constant 32256 : i32
    %parallel_loop3A_25 = arith.constant 16 : i32
    scf.for %parallel_loop3A_89 = %parallel_loop3A_23 to %parallel_loop3A_24 step %parallel_loop3A_25  : i32 {
      %parallel_loop3A_90 = arith.index_cast %parallel_loop3A_89 : i32 to index
      %parallel_loop3A_91 = tpu.vector_load %arg5[%parallel_loop3A_90] {strides = array<i32>} : memref<64512xf32, #tpu.memory_space<vmem>>, vector<16xf32>,
      tpu.vector_store %arg5[%parallel_loop3A_90], %broadcast_in_dim3A_4 {strides = array<i32>} : memref<64512xf32, #tpu.memory_space<vmem>>, vector<16xf32>,
    } {sc.loop_unroll_factor = 16 : i64, sc.parallel_access}
    %parallel_loop3A_26 = arith.constant 256 : i32
    %parallel_loop3A_27 = arith.constant 512 : i32
    %parallel_loop3A_28 = arith.constant 16 : i32
    scf.for %parallel_loop3A_89 = %parallel_loop3A_26 to %parallel_loop3A_27 step %parallel_loop3A_28  : i32 {
      %parallel_loop3A_90 = arith.index_cast %parallel_loop3A_89 : i32 to index
      %parallel_loop3A_91 = tpu.vector_load %arg4[%parallel_loop3A_90] {strides = array<i32>} : memref<1024xi32, #tpu.memory_space<vmem>>, vector<16xi32>,
      %parallel_loop3A_92 = arith.constant 63 : i32
      %parallel_loop3A_93 = arith.muli %parallel_loop3A_89, %parallel_loop3A_92 : i32
      %parallel_loop3A_94 = vector.broadcast %parallel_loop3A_93 : i32 to vector<16xi32>
      %parallel_loop3A_95 = arith.addi %mul3A_9, %parallel_loop3A_94 : vector<16xi32>
      %parallel_loop3A_96 = arith.addi %parallel_loop3A_95, %parallel_loop3A_91 : vector<16xi32>
      tpu.vector_store_idx %arg5[%parallel_loop3A_96], %broadcast_in_dim3A_6 : memref<64512xf32, #tpu.memory_space<vmem>>[vector<16xi32>], vector<16xf32>,
    } {sc.loop_unroll_factor = 4 : i64, sc.parallel_access}
    %add3A_29 = arith.constant 16128 : i32
    %add3A_30 = arith.addi %mul3A_0, %add3A_29 : i32
    %dma_start3A_31 = arith.constant 16128 : i32
    %dma_start3A_32 = tpu.memref_slice %arg5[%dma_start3A_31] : memref<64512xf32, #tpu.memory_space<vmem>> -> memref<16128xf32, #tpu.memory_space<vmem>>
    %dma_start3A_33 = tpu.memref_slice %arg3[%add3A_30] : memref<1032192xf32, #tpu.memory_space<hbm>> -> memref<16128xf32, #tpu.memory_space<hbm>>
    %dma_start3A_34 = tpu.memref_slice %arg3[%add3A_30] : memref<1032192xf32, #tpu.memory_space<hbm>> -> memref<16128xf32, #tpu.memory_space<hbm>>
    %dma_start3A_35 = arith.constant 16128 : i32
    %dma_start3A_36 = tpu.memref_slice %arg5[%dma_start3A_35] : memref<64512xf32, #tpu.memory_space<vmem>> -> memref<16128xf32, #tpu.memory_space<vmem>>
    tpu.enqueue_dma source(%dma_start3A_36 : memref<16128xf32, #tpu.memory_space<vmem>>) target(%dma_start3A_34 : memref<16128xf32, #tpu.memory_space<hbm>>) target_semaphore(%arg7 : memref<!tpu.dma_semaphore, #tpu.memory_space<semaphore_mem>>)
    %parallel_loop3A_37 = arith.constant 32256 : i32
    %parallel_loop3A_38 = arith.constant 48384 : i32
    %parallel_loop3A_39 = arith.constant 16 : i32
    scf.for %parallel_loop3A_89 = %parallel_loop3A_37 to %parallel_loop3A_38 step %parallel_loop3A_39  : i32 {
      %parallel_loop3A_90 = arith.index_cast %parallel_loop3A_89 : i32 to index
      %parallel_loop3A_91 = tpu.vector_load %arg5[%parallel_loop3A_90] {strides = array<i32>} : memref<64512xf32, #tpu.memory_space<vmem>>, vector<16xf32>,
      tpu.vector_store %arg5[%parallel_loop3A_90], %broadcast_in_dim3A_4 {strides = array<i32>} : memref<64512xf32, #tpu.memory_space<vmem>>, vector<16xf32>,
    } {sc.loop_unroll_factor = 16 : i64, sc.parallel_access}
    %parallel_loop3A_40 = arith.constant 512 : i32
    %parallel_loop3A_41 = arith.constant 768 : i32
    %parallel_loop3A_42 = arith.constant 16 : i32
    scf.for %parallel_loop3A_89 = %parallel_loop3A_40 to %parallel_loop3A_41 step %parallel_loop3A_42  : i32 {
      %parallel_loop3A_90 = arith.index_cast %parallel_loop3A_89 : i32 to index
      %parallel_loop3A_91 = tpu.vector_load %arg4[%parallel_loop3A_90] {strides = array<i32>} : memref<1024xi32, #tpu.memory_space<vmem>>, vector<16xi32>,
      %parallel_loop3A_92 = arith.constant 63 : i32
      %parallel_loop3A_93 = arith.muli %parallel_loop3A_89, %parallel_loop3A_92 : i32
      %parallel_loop3A_94 = vector.broadcast %parallel_loop3A_93 : i32 to vector<16xi32>
      %parallel_loop3A_95 = arith.addi %mul3A_9, %parallel_loop3A_94 : vector<16xi32>
      %parallel_loop3A_96 = arith.addi %parallel_loop3A_95, %parallel_loop3A_91 : vector<16xi32>
      tpu.vector_store_idx %arg5[%parallel_loop3A_96], %broadcast_in_dim3A_6 : memref<64512xf32, #tpu.memory_space<vmem>>[vector<16xi32>], vector<16xf32>,
    } {sc.loop_unroll_factor = 4 : i64, sc.parallel_access}
    %add3A_43 = arith.constant 32256 : i32
    %add3A_44 = arith.addi %mul3A_0, %add3A_43 : i32
    %dma_start3A_45 = arith.constant 32256 : i32
    %dma_start3A_46 = tpu.memref_slice %arg5[%dma_start3A_45] : memref<64512xf32, #tpu.memory_space<vmem>> -> memref<16128xf32, #tpu.memory_space<vmem>>
    %dma_start3A_47 = tpu.memref_slice %arg3[%add3A_44] : memref<1032192xf32, #tpu.memory_space<hbm>> -> memref<16128xf32, #tpu.memory_space<hbm>>
    %dma_start3A_48 = tpu.memref_slice %arg3[%add3A_44] : memref<1032192xf32, #tpu.memory_space<hbm>> -> memref<16128xf32, #tpu.memory_space<hbm>>
    %dma_start3A_49 = arith.constant 32256 : i32
    %dma_start3A_50 = tpu.memref_slice %arg5[%dma_start3A_49] : memref<64512xf32, #tpu.memory_space<vmem>> -> memref<16128xf32, #tpu.memory_space<vmem>>
    tpu.enqueue_dma source(%dma_start3A_50 : memref<16128xf32, #tpu.memory_space<vmem>>) target(%dma_start3A_48 : memref<16128xf32, #tpu.memory_space<hbm>>) target_semaphore(%arg7 : memref<!tpu.dma_semaphore, #tpu.memory_space<semaphore_mem>>)
    %parallel_loop3A_51 = arith.constant 48384 : i32
    %parallel_loop3A_52 = arith.constant 64512 : i32
    %parallel_loop3A_53 = arith.constant 16 : i32
    scf.for %parallel_loop3A_89 = %parallel_loop3A_51 to %parallel_loop3A_52 step %parallel_loop3A_53  : i32 {
      %parallel_loop3A_90 = arith.index_cast %parallel_loop3A_89 : i32 to index
      %parallel_loop3A_91 = tpu.vector_load %arg5[%parallel_loop3A_90] {strides = array<i32>} : memref<64512xf32, #tpu.memory_space<vmem>>, vector<16xf32>,
      tpu.vector_store %arg5[%parallel_loop3A_90], %broadcast_in_dim3A_4 {strides = array<i32>} : memref<64512xf32, #tpu.memory_space<vmem>>, vector<16xf32>,
    } {sc.loop_unroll_factor = 16 : i64, sc.parallel_access}
    %parallel_loop3A_54 = arith.constant 768 : i32
    %parallel_loop3A_55 = arith.constant 1024 : i32
    %parallel_loop3A_56 = arith.constant 16 : i32
    scf.for %parallel_loop3A_89 = %parallel_loop3A_54 to %parallel_loop3A_55 step %parallel_loop3A_56  : i32 {
      %parallel_loop3A_90 = arith.index_cast %parallel_loop3A_89 : i32 to index
      %parallel_loop3A_91 = tpu.vector_load %arg4[%parallel_loop3A_90] {strides = array<i32>} : memref<1024xi32, #tpu.memory_space<vmem>>, vector<16xi32>,
      %parallel_loop3A_92 = arith.constant 63 : i32
      %parallel_loop3A_93 = arith.muli %parallel_loop3A_89, %parallel_loop3A_92 : i32
      %parallel_loop3A_94 = vector.broadcast %parallel_loop3A_93 : i32 to vector<16xi32>
      %parallel_loop3A_95 = arith.addi %mul3A_9, %parallel_loop3A_94 : vector<16xi32>
      %parallel_loop3A_96 = arith.addi %parallel_loop3A_95, %parallel_loop3A_91 : vector<16xi32>
      tpu.vector_store_idx %arg5[%parallel_loop3A_96], %broadcast_in_dim3A_6 : memref<64512xf32, #tpu.memory_space<vmem>>[vector<16xi32>], vector<16xf32>,
    } {sc.loop_unroll_factor = 4 : i64, sc.parallel_access}
    %add3A_57 = arith.constant 48384 : i32
    %add3A_58 = arith.addi %mul3A_0, %add3A_57 : i32
    %dma_start3A_59 = arith.constant 48384 : i32
    %dma_start3A_60 = tpu.memref_slice %arg5[%dma_start3A_59] : memref<64512xf32, #tpu.memory_space<vmem>> -> memref<16128xf32, #tpu.memory_space<vmem>>
    %dma_start3A_61 = tpu.memref_slice %arg3[%add3A_58] : memref<1032192xf32, #tpu.memory_space<hbm>> -> memref<16128xf32, #tpu.memory_space<hbm>>
    %dma_start3A_62 = tpu.memref_slice %arg3[%add3A_58] : memref<1032192xf32, #tpu.memory_space<hbm>> -> memref<16128xf32, #tpu.memory_space<hbm>>
    %dma_start3A_63 = arith.constant 48384 : i32
    %dma_start3A_64 = tpu.memref_slice %arg5[%dma_start3A_63] : memref<64512xf32, #tpu.memory_space<vmem>> -> memref<16128xf32, #tpu.memory_space<vmem>>
    tpu.enqueue_dma source(%dma_start3A_64 : memref<16128xf32, #tpu.memory_space<vmem>>) target(%dma_start3A_62 : memref<16128xf32, #tpu.memory_space<hbm>>) target_semaphore(%arg7 : memref<!tpu.dma_semaphore, #tpu.memory_space<semaphore_mem>>)
    %dma_wait3A_65 = arith.constant 0 : i32
    %dma_wait3A_66 = tpu.memref_slice %arg5[%dma_wait3A_65] : memref<64512xf32, #tpu.memory_space<vmem>> -> memref<16128xf32, #tpu.memory_space<vmem>>
    %dma_wait3A_67 = tpu.memref_slice %arg3[%add3A_16] : memref<1032192xf32, #tpu.memory_space<hbm>> -> memref<16128xf32, #tpu.memory_space<hbm>>
    %dma_wait3A_68 = tpu.memref_slice %arg3[%add3A_16] : memref<1032192xf32, #tpu.memory_space<hbm>> -> memref<16128xf32, #tpu.memory_space<hbm>>
    %dma_wait3A_69 = arith.constant 0 : i32
    %dma_wait3A_70 = tpu.memref_slice %arg5[%dma_wait3A_69] : memref<64512xf32, #tpu.memory_space<vmem>> -> memref<16128xf32, #tpu.memory_space<vmem>>
    tpu.wait_dma2 semaphore(%arg7 : memref<!tpu.dma_semaphore, #tpu.memory_space<semaphore_mem>>) src(%dma_wait3A_70 : memref<16128xf32, #tpu.memory_space<vmem>>) dst(%dma_wait3A_68 : memref<16128xf32, #tpu.memory_space<hbm>>)
    %dma_wait3A_71 = arith.constant 16128 : i32
    %dma_wait3A_72 = tpu.memref_slice %arg5[%dma_wait3A_71] : memref<64512xf32, #tpu.memory_space<vmem>> -> memref<16128xf32, #tpu.memory_space<vmem>>
    %dma_wait3A_73 = tpu.memref_slice %arg3[%add3A_30] : memref<1032192xf32, #tpu.memory_space<hbm>> -> memref<16128xf32, #tpu.memory_space<hbm>>
    %dma_wait3A_74 = tpu.memref_slice %arg3[%add3A_30] : memref<1032192xf32, #tpu.memory_space<hbm>> -> memref<16128xf32, #tpu.memory_space<hbm>>
    %dma_wait3A_75 = arith.constant 16128 : i32
    %dma_wait3A_76 = tpu.memref_slice %arg5[%dma_wait3A_75] : memref<64512xf32, #tpu.memory_space<vmem>> -> memref<16128xf32, #tpu.memory_space<vmem>>
    tpu.wait_dma2 semaphore(%arg7 : memref<!tpu.dma_semaphore, #tpu.memory_space<semaphore_mem>>) src(%dma_wait3A_76 : memref<16128xf32, #tpu.memory_space<vmem>>) dst(%dma_wait3A_74 : memref<16128xf32, #tpu.memory_space<hbm>>)
    %dma_wait3A_77 = arith.constant 32256 : i32
    %dma_wait3A_78 = tpu.memref_slice %arg5[%dma_wait3A_77] : memref<64512xf32, #tpu.memory_space<vmem>> -> memref<16128xf32, #tpu.memory_space<vmem>>
    %dma_wait3A_79 = tpu.memref_slice %arg3[%add3A_44] : memref<1032192xf32, #tpu.memory_space<hbm>> -> memref<16128xf32, #tpu.memory_space<hbm>>
    %dma_wait3A_80 = tpu.memref_slice %arg3[%add3A_44] : memref<1032192xf32, #tpu.memory_space<hbm>> -> memref<16128xf32, #tpu.memory_space<hbm>>
    %dma_wait3A_81 = arith.constant 32256 : i32
    %dma_wait3A_82 = tpu.memref_slice %arg5[%dma_wait3A_81] : memref<64512xf32, #tpu.memory_space<vmem>> -> memref<16128xf32, #tpu.memory_space<vmem>>
    tpu.wait_dma2 semaphore(%arg7 : memref<!tpu.dma_semaphore, #tpu.memory_space<semaphore_mem>>) src(%dma_wait3A_82 : memref<16128xf32, #tpu.memory_space<vmem>>) dst(%dma_wait3A_80 : memref<16128xf32, #tpu.memory_space<hbm>>)
    %dma_wait3A_83 = arith.constant 48384 : i32
    %dma_wait3A_84 = tpu.memref_slice %arg5[%dma_wait3A_83] : memref<64512xf32, #tpu.memory_space<vmem>> -> memref<16128xf32, #tpu.memory_space<vmem>>
    %dma_wait3A_85 = tpu.memref_slice %arg3[%add3A_58] : memref<1032192xf32, #tpu.memory_space<hbm>> -> memref<16128xf32, #tpu.memory_space<hbm>>
    %dma_wait3A_86 = tpu.memref_slice %arg3[%add3A_58] : memref<1032192xf32, #tpu.memory_space<hbm>> -> memref<16128xf32, #tpu.memory_space<hbm>>
    %dma_wait3A_87 = arith.constant 48384 : i32
    %dma_wait3A_88 = tpu.memref_slice %arg5[%dma_wait3A_87] : memref<64512xf32, #tpu.memory_space<vmem>> -> memref<16128xf32, #tpu.memory_space<vmem>>
    tpu.wait_dma2 semaphore(%arg7 : memref<!tpu.dma_semaphore, #tpu.memory_space<semaphore_mem>>) src(%dma_wait3A_88 : memref<16128xf32, #tpu.memory_space<vmem>>) dst(%dma_wait3A_86 : memref<16128xf32, #tpu.memory_space<hbm>>)
    return
  }
}

</mosaic_0001>

<sc_bundles>
// kernel: kernel.3.cloned.1.call-start
scs
__scs_entry_jumppad:
0x0: {  	(pc) =	sbr.rel $0x88, $3  }
0x1: {  	(tag) =	ssettag $0x0;
	lr =	simm.s32 $0x1  }
0x2: {  	[smem:$0x3FA0] =	sst lr;
	_ =	strace $0xD0000000  }
0x3: {  	_ = 	snop  }
0x4: {  	_ = 	snop  }
0x5: {  	_ = 	snop  }
0x6: {  	_ = 	snop  }
0x7: {  	_ = 	snop  }
__scs_overlays_trampoline_lowered:
0x8: {  	[smem:$0x3FAF] =	sst s0  }
0x9: {  	[smem:$0x3FB0] =	sst s1  }
0xa: {  	[smem:$0x3FB1] =	sst s2  }
0xb: {  	[smem:$0x3FB2] =	sst s3  }
0xc: {  	[smem:$0x3FB3] =	sst s4  }
0xd: {  	[smem:$0x3FB4] =	sst s5  }
0xe: {  	[smem:$0x3FB5] =	sst s6  }
0xf: {  	[smem:$0x3FB6] =	sst s7  }
0x10: {  	[smem:$0x3FB7] =	sst s8  }
0x11: {  	[smem:$0x3FB8] =	sst s9;
	s0 =	simm.s32 @!p0 $0x0  }
0x12: {  	s1 =	sld [smem:$0x3F9E];
	s0 =	simm.s32 @p0 $0x1  }
0x13: {  	[smem:$0x3FB9] =	sst s0;
	s0 =	simm.s32 @!p1 $0x0  }
0x14: {  	s2 =	sld [smem:$0x3F9D];
	s0 =	simm.s32 @p1 $0x1  }
0x15: {  	[smem:$0x3FBA] =	sst s0;
	s0 =	simm.s32 @!p2 $0x0  }
0x16: {  	s3 =	sld [smem:$0x3FDB];
	s0 =	simm.s32 @p2 $0x1  }
0x17: {  	s4 =	simm.s32 $0x1BF5;
	[smem:$0x3FBC] =	sst s0  }
0x18: {  	s0 =	sld [smem:$0x3F9F];
	_ =	swait.ge [sflag:s4], $0x0  }
0x19: {  	s7 =	sld [smem:$0x3FA0]  }
0x1a: {  	s8 =	sadd.s32 $0xFFFFE003, lr  }
0x1b: {  	s9 =	sadd.s32 $0xFFFFFEF7, lr;
	s5 =	simm.s32 $0xFFFFFFFF;
	p2 =	slt.u32 s8, $0xFFFFF086  }
0x1c: {  	p1 =	slt.u32 s9, $0xF7A;
	s5 =	simm.s32 @!p2 $0x0  }
0x1d: {  	s5 =	simm.s32 @p1 $0x1;
	p0 =	seq.s32 s7, s2  }
0x1e: {  	s7 =	smul.u32 @!p0 $0xF7A, s2;
	p2 =	seq.s32 @!p0 s5, $0x0  }
0x1f: {  	s9 =	smul.u32 $0xF7A, s1;
	s8 =	simm.s32 @!p0 $0x1BF5;
	p2 =	por !p2, p0  }
0x20: {  	[sflag:s8] =	ssyncset.s32 @!p0 $0xFFFFF086;
	s6 =	sadd.s32 @!p0 s3, s7;
	s7 =	simm.s32 @!p0 $0x108  }
0x21: {  	s3 =	sadd.s32 s3, s9;
	s6 =	sadd.s32 @!p0 $0x88, s6;
	s7 =	simm.s32 @p2 $0x1082  }
0x22: {  	[simem:s7], [sflag:s8] =	dma.local @!p0 [hbm:s6], $0xF7A  }
0x23: {  	s9 =	sor.u32 $0xD0000000, s2;
	s6 =	simm.s32 $0x108;
	_ =	swait.ge @!p0 [sflag:s8], $0x0  }
0x24: {  	s3 =	sadd.s32 $0x88, s3;
	s6 =	simm.s32 @!p1 $0x1082;
	[sflag:s4] =	ssyncset.s32 $0xFFFFF086  }
0x25: {  	[simem:s6], [sflag:s4] =	dma.local [hbm:s3], $0xF7A  }
0x26: {  	[smem:$0x3FA0] =	sst s1;
	(tag) =	ssettag s2;
	_ =	strace s9  }
0x27: {  	s1 =	sld [smem:$0x3FB0]  }
0x28: {  	s2 =	sld [smem:$0x3FB1]  }
0x29: {  	s4 =	sld [smem:$0x3FB3]  }
0x2a: {  	p0 =	seq.s32 s5, $0x0;
	s5 =	sld [smem:$0x3FB4]  }
0x2b: {  	s6 =	sld [smem:$0x3FB5]  }
0x2c: {  	s7 =	sld [smem:$0x3FB6]  }
0x2d: {  	s3 =	simm.s32 $0x108;
	s8 =	sld [smem:$0x3FB7]  }
0x2e: {  	s3 =	simm.s32 @!p0 $0x1082;
	s9 =	sld [smem:$0x3FB8]  }
0x2f: {  	lr =	sadd.s32 s0, s3;
	s0 =	sld [smem:$0x3FAF]  }
0x30: {  	s3 =	sld [smem:$0x3FB2]  }
0x31: {  	[smem:$0x3FBB] =	sst s10  }
0x32: {  	s10 =	sld [smem:$0x3FB9];
	_ =	sdelay $0x3  }
0x33: {  	p0 =	seq.s32 s10, $0x1;
	s10 =	sld [smem:$0x3FBB];
	_ =	sdelay $0x3  }
0x34: {  	[smem:$0x3FBB] =	sst s10  }
0x35: {  	s10 =	sld [smem:$0x3FBA];
	_ =	sdelay $0x3  }
0x36: {  	p1 =	seq.s32 s10, $0x1;
	s10 =	sld [smem:$0x3FBB];
	_ =	sdelay $0x3  }
0x37: {  	[smem:$0x3FBB] =	sst s10  }
0x38: {  	s10 =	sld [smem:$0x3FBC]  }
0x39: {  	_ = 	snop;
	(pc) =	sbr.ind lr, $3  }
0x3a: {  	_ = 	snop  }
0x3b: {  	_ = 	snop  }
0x3c: {  	p2 =	seq.s32 s10, $0x1;
	s10 =	sld [smem:$0x3FBB]  }
0x3d: {  	_ =	shalt  }
0x3e: {  	_ =	shalt  }
0x3f: {  	_ =	shalt  }
0x40: {  	_ =	shalt  }
0x41: {  	_ =	shalt  }
0x42: {  	_ =	shalt  }
0x43: {  	_ =	shalt  }
0x44: {  	_ =	shalt  }
0x45: {  	_ =	shalt  }
0x46: {  	_ =	shalt  }
0x47: {  	_ =	shalt  }
0x48: {  	_ =	shalt  }
0x49: {  	_ =	shalt  }
0x4a: {  	_ =	shalt  }
0x4b: {  	_ =	shalt  }
0x4c: {  	_ =	shalt  }
0x4d: {  	_ =	shalt  }
0x4e: {  	_ =	shalt  }
0x4f: {  	_ =	shalt  }
0x50: {  	_ =	shalt  }
0x51: {  	_ =	shalt  }
0x52: {  	_ =	shalt  }
0x53: {  	_ =	shalt  }
0x54: {  	_ =	shalt  }
0x55: {  	_ =	shalt  }
0x56: {  	_ =	shalt  }
0x57: {  	_ =	shalt  }
0x58: {  	_ =	shalt  }
0x59: {  	_ =	shalt  }
0x5a: {  	_ =	shalt  }
0x5b: {  	_ =	shalt  }
0x5c: {  	_ =	shalt  }
0x5d: {  	_ =	shalt  }
0x5e: {  	_ =	shalt  }
0x5f: {  	_ =	shalt  }
0x60: {  	_ =	shalt  }
0x61: {  	_ =	shalt  }
0x62: {  	_ =	shalt  }
0x63: {  	_ =	shalt  }
0x64: {  	_ =	shalt  }
0x65: {  	_ =	shalt  }
0x66: {  	_ =	shalt  }
0x67: {  	_ =	shalt  }
0x68: {  	_ =	shalt  }
0x69: {  	_ =	shalt  }
0x6a: {  	_ =	shalt  }
0x6b: {  	_ =	shalt  }
0x6c: {  	_ =	shalt  }
0x6d: {  	_ =	shalt  }
0x6e: {  	_ =	shalt  }
0x6f: {  	_ =	shalt  }
0x70: {  	_ =	shalt  }
0x71: {  	_ =	shalt  }
0x72: {  	_ =	shalt  }
0x73: {  	_ =	shalt  }
0x74: {  	_ =	shalt  }
0x75: {  	_ =	shalt  }
0x76: {  	_ =	shalt  }
0x77: {  	_ =	shalt  }
0x78: {  	_ =	shalt  }
0x79: {  	_ =	shalt  }
0x7a: {  	_ =	shalt  }
0x7b: {  	_ =	shalt  }
0x7c: {  	_ =	shalt  }
0x7d: {  	_ =	shalt  }
0x7e: {  	_ =	shalt  }
0x7f: {  	_ =	shalt  }
0x80: {  	_ =	shalt  }
0x81: {  	_ =	shalt  }
0x82: {  	_ =	shalt  }
0x83: {  	_ =	shalt  }
0x84: {  	_ =	shalt  }
0x85: {  	_ =	shalt  }
0x86: {  	_ =	shalt  }
0x87: {  	_ =	shalt  }
.Lfunc_end0:
.L_simem_size_0:
called_computation_lowered:
.L_overlay_start_0:
0x88: {  	s0 =	sld [smem:$0x3FD9]  }
0x89: {  	s1 =	sld [smem:$0x3FFE];
	_ =	sdelay $0x3  }
0x8a: {  	s0 =	sadd.s32 s1, s0  }
0x8b: {  	[smem:$0x3FC7] =	sst s0  }
0x8c: {  	_ = 	snop  }
0x8d: {  	s0 =	sld [smem:$0x3FC9]  }
0x8e: {  	s17 =	sld [smem:$0x3FD0];
	(tm) =	ssettm $0x1  }
0x8f: {  	s2 =	sld [smem:$0x3FFB];
	_ =	sdelay $0x3  }
0x90: {  	_ =	strace s2  }
0x91: {  	s2 =	sld [smem:$0x3FFC];
	_ =	sdelay $0x3  }
0x92: {  	_ =	strace s2  }
0x93: {  	s2 =	sld [smem:$0x3FFD];
	_ =	sdelay $0x3  }
0x94: {  	_ =	strace s2  }
0x95: {  	_ =	strace $0x8FFFFFFF  }
0x96: {  	s18 =	sld [smem:$0x3FDB];
	_ =	sdelay $0x1  }
0x97: {  	s3 =	simm.s32 $_scs_section_size  }
0x98: {  	s4 =	simm.s32 $_size__tile_overlayer_lowered;
	s5 =	simm.s32 $_tile_overlayer_lowered  }
0x99: {  	s21 =	simm.s32 $0x1BFF;
	s20 =	sshll.u32 s5, $0x1;
	s2 =	sadd.s32 s3, s18  }
0x9a: {  	s6 =	simm.s32 $0x0;
	s19 =	sshll.u32 s4, $0x1;
	s4 =	sadd.s32 s20, s2  }
0x9b: {  	[timem:s6], [sflag:s21] =	dma.local [hbm:s4], s19  }
0x9c: {  	_ =	swait.ge [sflag:s21], s19  }
0x9d: {  	s3 =	ssub.s32 $0x0, s19;
	[sflag:s21] =	ssyncset.done $0x0  }
0x9e: {  	[sflag:s21] =	ssyncadd.s32 s3;
	_ =	sdelay $0x1  }
0x9f: {  	s22 =	simm.s32 $0x1B8B  }
0xa0: {  	_ =	swait.ge [sflag:s22], $0x1  }
0xa1: {  	[sflag:s22] =	ssyncset.done $0x0  }
0xa2: {  	s23 =	simm.s32 $0x1B8E;
	[sflag:s22] =	ssyncadd.s32 $0xFFFFFFFF  }
0xa3: {  	s24 =	simm.s32 $execute0_lowered;
	[smem:$0x3FD2] =	sst s23  }
0xa4: {  	s3 =	sshll.u32 s24, $0x1;
	_ =	strace $0x80000046;
	[dreg:$0x1] =	wrdreg $0xFFFFFFFF  }
0xa5: {  	s25 =	simm.s32 $_size_execute0_lowered;
	s2 =	sadd.s32 s2, s3;
	[dreg:$0x0] =	wrdreg $0x0  }
0xa6: {  	s3 =	sshll.u32 s25, $0x1;
	[dreg:$0x2] =	wrdreg s2  }
0xa7: {  	[dreg:$0x3] =	wrdreg s3  }
0xa8: {  	[dreg:$0x4] =	wrdreg $0xC0  }
0xa9: {  	_ =	task [dreg:s6], $0x5FFFF  }
0xaa: {  	[dreg:$0x1] =	wrdreg $0xFFFFFFFF  }
0xab: {  	[dreg:$0x0] =	wrdreg $0x60  }
0xac: {  	[dreg:$0x2] =	wrdreg s0  }
0xad: {  	[dreg:$0x3] =	wrdreg s17  }
0xae: {  	[dreg:$0x4] =	wrdreg $0x9  }
0xaf: {  	_ =	task.clear_ibuf [dreg:s6], $0x5FFFF;
	_ =	strace $0x90000046  }
0xb0: {  	s26 =	simm.s32 $0x9;
	_ =	strace $0x80000048  }
0xb1: {  	_ =	swait.ge [sflag:s26], $0x1  }
0xb2: {  	[sflag:s26] =	ssyncadd.s32 $0xFFFFFFFF  }
0xb3: {  	_ =	strace $0x90000048  }
0xb4: {  	_ =	sfence  }
0xb5: {  	s28 =	sld [smem:$0x0];
	_ =	sdelay $0x1  }
0xb6: {  	s29 =	srdreg.scid  }
0xb7: {  	s30 =	sshll.u32 s29, $0xD;
	s31 =	sshrl.u32 s29, $0x2  }
0xb8: {  	s1 =	sand.u32 $0x1, s29;
	s2 =	sand.u32 $0x4000, s30;
	s0 =	sadd.s32 s31, s28  }
0xb9: {  	s1 =	sor.u32 s2, s1;
	s0 =	sshll.u32 s0, $0x11  }
0xba: {  	s0 =	sor.u32 s0, s1  }
0xbb: {  	s0 =	sadd.s32 $0x8F2B, s0  }
0xbc: {  	[sflag:s0] =	ssyncadd.remote.s32 $0x1  }
0xbd: {  	_ =	sfence.sel $0xFFFF  }
0xbe: {  	[dreg:$0x0] =	wrdreg $0xFFFFFFFF;
	(pc) =	sbr.abs _section_cstart, $3  }
0xbf: {  	[dreg:$0x1] =	wrdreg $0xFFFFFFFF  }
0xc0: {  	_ =	task.clear_ibuf [dreg:s6], $0x2FFFF;
	_ =	strace $0x9FFFFFFF  }
0xc1: {  	(tm) =	ssettm $0x7FFFFFFF  }
tec
execute0_lowered:
.L_overlay_start_1:
0x0: {  	(tag) =	ssettag $0x1  }
0x1: {  	s3 =	rddreg [dreg:$0x0]  }
0x2: {  	s2 =	rddreg [dreg:$0x1];
	s4 =	simm.s32 $0x0;
	s1 =	stileid.u32  }
0x3: {  	[smem:$0x7FF] =	sst s4;
	s5 =	sshll.u32 s1, $0x7  }
0x4: {  	s0 =	rddreg [dreg:$0x2];
	_ =	strace $0x80000047;
	s3 =	sadd.s32 s3, s5  }
0x5: {  	[tilespmem:s4], [sflag:$0x1] =	stream.linear.gather [hbm4b:s3+s4], $0x400, $0x38;
	[tilespmem:$0x10000] =	vst v63  }
0x6: {  	v0 =	vimm.f32 $0.0e+00;
	s3 =	simm.s32 $0x480  }
0x7: {  	[tilespmem:s3+$0xFFFFFF80] =	vst v0  }
0x8: {  	[tilespmem:s3+$0x70] =	vst v0  }
0x9: {  	[tilespmem:s3+$0x60] =	vst v0  }
0xa: {  	[tilespmem:s3+$0x50] =	vst v0  }
0xb: {  	[tilespmem:s3+$0x40] =	vst v0  }
0xc: {  	[tilespmem:s3+$0x30] =	vst v0  }
0xd: {  	[tilespmem:s3+$0x20] =	vst v0  }
0xe: {  	[tilespmem:s3+$0x10] =	vst v0  }
0xf: {  	[tilespmem:s3+$0x0] =	vst v0  }
0x10: {  	[tilespmem:s3+$0xFFFFFFF0] =	vst v0  }
0x11: {  	[tilespmem:s3+$0xFFFFFFE0] =	vst v0  }
0x12: {  	[tilespmem:s3+$0xFFFFFFD0] =	vst v0  }
0x13: {  	[tilespmem:s3+$0xFFFFFFC0] =	vst v0  }
0x14: {  	[tilespmem:s3+$0xFFFFFFB0] =	vst v0  }
0x15: {  	s4 =	simm.s32 $0x0;
	[tilespmem:s3+$0xFFFFFFA0] =	vst v0  }
.LBB2_1:
0x16: {  	s4 =	sadd.s32 $0x100, s4;
	[tilespmem:s3+$0xFFFFFF90] =	vst v0;
	s3 =	sadd.s32 $0x100, s3  }
0x17: {  	[tilespmem:s3+$0xFFFFFF80] =	vst v0;
	p0 =	slt.u32 s4, $0x3E00  }
0x18: {  	[tilespmem:s3+$0x70] =	vst v0  }
0x19: {  	[tilespmem:s3+$0x60] =	vst v0  }
0x1a: {  	[tilespmem:s3+$0x50] =	vst v0  }
0x1b: {  	[tilespmem:s3+$0x40] =	vst v0  }
0x1c: {  	[tilespmem:s3+$0x30] =	vst v0  }
0x1d: {  	[tilespmem:s3+$0x20] =	vst v0  }
0x1e: {  	[tilespmem:s3+$0x10] =	vst v0  }
0x1f: {  	[tilespmem:s3+$0x0] =	vst v0  }
0x20: {  	[tilespmem:s3+$0xFFFFFFF0] =	vst v0  }
.Ltmp0:
0x21: {  	[tilespmem:s3+$0xFFFFFFE0] =	vst v0;
	(pc) =	sbr.rel @p0 .LBB2_1-.Ltmp0, $4  }
0x22: {  	[tilespmem:s3+$0xFFFFFFD0] =	vst v0  }
0x23: {  	[tilespmem:s3+$0xFFFFFFC0] =	vst v0  }
0x24: {  	[tilespmem:s3+$0xFFFFFFB0] =	vst v0  }
0x25: {  	[tilespmem:s3+$0xFFFFFFA0] =	vst v0  }
0x26: {  	[tilespmem:s3+$0xFFFFFF90] =	vst v0;
	s28 =	simm.s32 $0x1  }
0x27: {  	_ =	swait.ge [sflag:s28], $0x400  }
0x28: {  	[sflag:s28] =	ssyncset.done $0x0  }
0x29: {  	s29 =	simm.s32 $0x20;
	[sflag:s28] =	ssyncadd.s32 $0xFFFFFC00  }
0x2a: {  	v1 =	vld [tilespmem:s29+$0x0];
	_ =	sdelay $0x1  }
0x2b: {  	v2 =	vld [tilespmem:s29+$0xFFFFFFE0]  }
0x2c: {  	v0 =	vlaneseq.u32;
	v4 =	vld [tilespmem:s29+$0xFFFFFFF0]  }
0x2d: {  	s4 =	simm.s32 $0x7E0;
	v0 =	vmul.u32 $0x3F, v0;
	v6 =	vld [tilespmem:s29+$0x10]  }
0x2e: {  	s7 =	simm.s32 $0x60;
	v1 =	vadd.s32 s4, v1  }
0x2f: {  	s30 =	simm.s32 $0x0;
	v8 =	vld [tilespmem:s7+$0x0];
	v9 =	vadd.s32 v0, v1  }
0x30: {  	s6 =	simm.s32 $0x3F0;
	v2 =	vadd.s32 s30, v2  }
0x31: {  	s8 =	simm.s32 $0xBD0;
	v3 =	vld [tilespmem:s7+$0xFFFFFFE0];
	v4 =	vadd.s32 s6, v4;
	v2 =	vadd.s32 v0, v2  }
0x32: {  	s3 =	simm.s32 $0x400;
	v5 =	vld [tilespmem:s7+$0xFFFFFFF0];
	v6 =	vadd.s32 s8, v6;
	v4 =	vadd.s32 v0, v4  }
0x33: {  	s5 =	simm.s32 $0x13B0;
	s31 =	simm.s32 $0x17A0;
	v7 =	vld [tilespmem:s7+$0x10];
	s7 =	simm.s32 $0x1F80;
	v1 =	vimm.f32 $1.000000000e+00;
	v6 =	vadd.s32 v0, v6  }
0x34: {  	s4 =	simm.s32 $0xFC0;
	s6 =	simm.s32 $0x40;
	v8 =	vadd.s32 s31, v8;
	s8 =	simm.s32 $0xA0;
	[tilespmem:v9+s3+$0x0] =	vst.idx.msk $0xffff, v1  }
.LBB2_3:
0x35: {  	s6 =	sadd.s32 $0x40, s6  }
0x36: {  	s9 =	sadd.s32 $0x3F0, s7;
	v9 =	vld [tilespmem:s8+$0x0];
	v10 =	vadd.s32 s4, v3;
	v11 =	vadd.s32 v0, v8;
	[tilespmem:v2+s3+$0x0] =	vst.idx.msk $0xffff, v1;
	p0 =	slt.u32 s6, $0xC0  }
.Ltmp1:
0x37: {  	s4 =	sadd.s32 $0xBD0, s4;
	v3 =	vld [tilespmem:s8+$0xFFFFFFE0];
	v2 =	vadd.s32 v0, v10;
	v8 =	vadd.s32 s5, v5;
	[tilespmem:v4+s3+$0x0] =	vst.idx.msk $0xffff, v1;
	(pc) =	sbr.rel @p0 .LBB2_3-.Ltmp1, $4  }
0x38: {  	s5 =	smov.u32 s9;
	v5 =	vld [tilespmem:s8+$0xFFFFFFF0];
	v4 =	vadd.s32 v0, v8;
	v8 =	vadd.s32 s4, v7;
	[tilespmem:v6+s3+$0x0] =	vst.idx.msk $0xffff, v1;
	s4 =	smov.u32 s7  }
0x39: {  	v7 =	vld [tilespmem:s8+$0x10];
	v6 =	vadd.s32 v0, v8  }
0x3a: {  	s9 =	sadd.s32 $0x7E0, s7  }
0x3b: {  	s7 =	sadd.s32 $0xFC0, s7;
	s8 =	sadd.s32 $0x40, s8;
	v8 =	vadd.s32 s9, v9;
	[tilespmem:v11+s3+$0x0] =	vst.idx.msk $0xffff, v1  }
0x3c: {  	_ =	sdelay $0x1  }
0x3d: {  	v3 =	vadd.s32 s4, v3;
	v8 =	vadd.s32 v0, v8  }
0x3e: {  	s28 =	sadd.s32 $0xBD0, s4;
	v3 =	vadd.s32 v0, v3;
	v5 =	vadd.s32 s5, v5  }
0x3f: {  	[tilespmem:v2+s3+$0x0] =	vst.idx.msk $0xffff, v1;
	v2 =	vadd.s32 v0, v5;
	v63 =	vadd.s32 s28, v7  }
0x40: {  	[tilespmem:v4+s3+$0x0] =	vst.idx.msk $0xffff, v1;
	v0 =	vadd.s32 v0, v63  }
0x41: {  	[tilespmem:v6+s3+$0x0] =	vst.idx.msk $0xffff, v1  }
0x42: {  	s29 =	smul.u32 $0xFC00, s1;
	[tilespmem:v8+s3+$0x0] =	vst.idx.msk $0xffff, v1  }
0x43: {  	[tilespmem:v3+s3+$0x0] =	vst.idx.msk $0xffff, v1  }
0x44: {  	s30 =	simm.s32 $0x0;
	s4 =	sshrl.u32 s29, $0x3;
	[tilespmem:v2+s3+$0x0] =	vst.idx.msk $0xffff, v1  }
0x45: {  	s31 =	simm.s32 $0x400;
	s2 =	sadd.s32 s2, s4;
	[tilespmem:v0+s3+$0x0] =	vst.idx.msk $0xffff, v1;
	s3 =	simm.s32 $0x43F0  }
0x46: {  	v0 =	vimm.f32 $0.0e+00;
	[hbm4b:s2+s30] =	stream.linear.scatter [tilespmem:s31], [sflag:$0x2], $0x3F00, $0x38;
	[tilespmem:$0x10000] =	vst v63  }
0x47: {  	[tilespmem:s3+$0xFFFFFF10] =	vst v0  }
0x48: {  	[tilespmem:s3+$0x0] =	vst v0  }
0x49: {  	[tilespmem:s3+$0xFFFFFFF0] =	vst v0  }
0x4a: {  	[tilespmem:s3+$0xFFFFFFE0] =	vst v0  }
0x4b: {  	[tilespmem:s3+$0xFFFFFFD0] =	vst v0  }
0x4c: {  	[tilespmem:s3+$0xFFFFFFC0] =	vst v0  }
0x4d: {  	[tilespmem:s3+$0xFFFFFFB0] =	vst v0  }
0x4e: {  	[tilespmem:s3+$0xFFFFFFA0] =	vst v0  }
0x4f: {  	[tilespmem:s3+$0xFFFFFF90] =	vst v0  }
0x50: {  	[tilespmem:s3+$0xFFFFFF80] =	vst v0  }
0x51: {  	[tilespmem:s3+$0xFFFFFF70] =	vst v0  }
0x52: {  	[tilespmem:s3+$0xFFFFFF60] =	vst v0  }
0x53: {  	[tilespmem:s3+$0xFFFFFF50] =	vst v0  }
0x54: {  	[tilespmem:s3+$0xFFFFFF40] =	vst v0  }
0x55: {  	s4 =	simm.s32 $0x3F00;
	[tilespmem:s3+$0xFFFFFF30] =	vst v0  }
.LBB2_5:
0x56: {  	s4 =	sadd.s32 $0x100, s4;
	[tilespmem:s3+$0xFFFFFF20] =	vst v0;
	s3 =	sadd.s32 $0x100, s3  }
0x57: {  	[tilespmem:s3+$0xFFFFFF10] =	vst v0;
	p0 =	slt.u32 s4, $0x7D00  }
0x58: {  	[tilespmem:s3+$0x0] =	vst v0  }
0x59: {  	[tilespmem:s3+$0xFFFFFFF0] =	vst v0  }
0x5a: {  	[tilespmem:s3+$0xFFFFFFE0] =	vst v0  }
0x5b: {  	[tilespmem:s3+$0xFFFFFFD0] =	vst v0  }
0x5c: {  	[tilespmem:s3+$0xFFFFFFC0] =	vst v0  }
0x5d: {  	[tilespmem:s3+$0xFFFFFFB0] =	vst v0  }
0x5e: {  	[tilespmem:s3+$0xFFFFFFA0] =	vst v0  }
0x5f: {  	[tilespmem:s3+$0xFFFFFF90] =	vst v0  }
0x60: {  	[tilespmem:s3+$0xFFFFFF80] =	vst v0  }
.Ltmp2:
0x61: {  	[tilespmem:s3+$0xFFFFFF70] =	vst v0;
	(pc) =	sbr.rel @p0 .LBB2_5-.Ltmp2, $4  }
0x62: {  	[tilespmem:s3+$0xFFFFFF60] =	vst v0  }
0x63: {  	[tilespmem:s3+$0xFFFFFF50] =	vst v0  }
0x64: {  	[tilespmem:s3+$0xFFFFFF40] =	vst v0  }
0x65: {  	[tilespmem:s3+$0xFFFFFF30] =	vst v0  }
0x66: {  	[tilespmem:s3+$0xFFFFFF20] =	vst v0;
	s30 =	simm.s32 $0x130  }
0x67: {  	v1 =	vld [tilespmem:s30+$0xFFFFFFF0];
	_ =	sdelay $0x1  }
0x68: {  	v2 =	vld [tilespmem:s30+$0xFFFFFFD0]  }
0x69: {  	v0 =	vlaneseq.u32;
	v4 =	vld [tilespmem:s30+$0xFFFFFFE0]  }
0x6a: {  	s4 =	simm.s32 $0x46E0;
	v0 =	vmul.u32 $0x3F, v0;
	v5 =	vld [tilespmem:s30+$0x0]  }
0x6b: {  	s7 =	simm.s32 $0x170;
	v1 =	vadd.s32 s4, v1  }
0x6c: {  	s5 =	simm.s32 $0x3F00;
	v8 =	vld [tilespmem:s7+$0xFFFFFFF0];
	v9 =	vadd.s32 v0, v1  }
0x6d: {  	s9 =	simm.s32 $0x42F0;
	v2 =	vadd.s32 s5, v2  }
0x6e: {  	s8 =	simm.s32 $0x4AD0;
	v3 =	vld [tilespmem:s7+$0xFFFFFFD0];
	v4 =	vadd.s32 s9, v4;
	v2 =	vadd.s32 v0, v2  }
0x6f: {  	s3 =	simm.s32 $0x400;
	s6 =	simm.s32 $0x140;
	v6 =	vld [tilespmem:s7+$0xFFFFFFE0];
	v5 =	vadd.s32 s8, v5;
	v4 =	vadd.s32 v0, v4  }
0x70: {  	s31 =	simm.s32 $0x56A0;
	v7 =	vld [tilespmem:s7+$0x0];
	s7 =	simm.s32 $0x1B0;
	s4 =	simm.s32 $0x5A90;
	v1 =	vimm.f32 $1.000000000e+00;
	v5 =	vadd.s32 v0, v5  }
0x71: {  	s5 =	simm.s32 $0x52B0;
	s9 =	simm.s32 $0x4EC0;
	v8 =	vadd.s32 s31, v8;
	s8 =	simm.s32 $0x6A50;
	[tilespmem:v9+s3+$0x0] =	vst.idx.msk $0xffff, v1  }
.LBB2_7:
0x72: {  	s6 =	sadd.s32 $0x40, s6  }
0x73: {  	s10 =	sadd.s32 $0xFFFFF820, s8;
	v9 =	vld [tilespmem:s7+$0xFFFFFFF0];
	v10 =	vadd.s32 s9, v3;
	v11 =	vadd.s32 v0, v8;
	[tilespmem:v2+s3+$0x0] =	vst.idx.msk $0xffff, v1;
	p0 =	slt.u32 s6, $0x1C0  }
.Ltmp3:
0x74: {  	v3 =	vld [tilespmem:s7+$0xFFFFFFD0];
	v2 =	vadd.s32 v0, v10;
	v8 =	vadd.s32 s5, v6;
	[tilespmem:v4+s3+$0x0] =	vst.idx.msk $0xffff, v1;
	s5 =	smov.u32 s10;
	(pc) =	sbr.rel @p0 .LBB2_7-.Ltmp3, $4  }
0x75: {  	v6 =	vld [tilespmem:s7+$0xFFFFFFE0];
	v4 =	vadd.s32 v0, v8;
	v8 =	vadd.s32 s4, v7;
	[tilespmem:v5+s3+$0x0] =	vst.idx.msk $0xffff, v1;
	s4 =	smov.u32 s8  }
0x76: {  	v7 =	vld [tilespmem:s7+$0x0];
	v5 =	vadd.s32 v0, v8  }
0x77: {  	s10 =	sadd.s32 $0xFFFFFC10, s8  }
0x78: {  	s8 =	sadd.s32 $0xFC0, s8;
	s9 =	sadd.s32 $0xFFFFF430, s4;
	s7 =	sadd.s32 $0x40, s7;
	v8 =	vadd.s32 s10, v9;
	[tilespmem:v11+s3+$0x0] =	vst.idx.msk $0xffff, v1  }
0x79: {  	_ =	sdelay $0x1  }
0x7a: {  	v3 =	vadd.s32 s9, v3;
	v8 =	vadd.s32 v0, v8  }
0x7b: {  	v3 =	vadd.s32 v0, v3;
	v6 =	vadd.s32 s5, v6  }
0x7c: {  	[tilespmem:v2+s3+$0x0] =	vst.idx.msk $0xffff, v1;
	v2 =	vadd.s32 v0, v6;
	v63 =	vadd.s32 s4, v7  }
0x7d: {  	[tilespmem:v4+s3+$0x0] =	vst.idx.msk $0xffff, v1;
	v0 =	vadd.s32 v0, v63  }
0x7e: {  	[tilespmem:v5+s3+$0x0] =	vst.idx.msk $0xffff, v1  }
0x7f: {  	[tilespmem:v8+s3+$0x0] =	vst.idx.msk $0xffff, v1  }
0x80: {  	[tilespmem:v3+s3+$0x0] =	vst.idx.msk $0xffff, v1  }
0x81: {  	s29 =	sadd.s32 $0x7E0, s2;
	[tilespmem:v2+s3+$0x0] =	vst.idx.msk $0xffff, v1  }
0x82: {  	s30 =	simm.s32 $0x0;
	s31 =	simm.s32 $0x4300;
	[tilespmem:v0+s3+$0x0] =	vst.idx.msk $0xffff, v1;
	s3 =	simm.s32 $0x82F0  }
0x83: {  	v0 =	vimm.f32 $0.0e+00;
	[hbm4b:s29+s30] =	stream.linear.scatter [tilespmem:s31], [sflag:$0x2], $0x3F00, $0x38;
	[tilespmem:$0x10000] =	vst v63  }
0x84: {  	[tilespmem:s3+$0xFFFFFF10] =	vst v0  }
0x85: {  	[tilespmem:s3+$0x0] =	vst v0  }
0x86: {  	[tilespmem:s3+$0xFFFFFFF0] =	vst v0  }
0x87: {  	[tilespmem:s3+$0xFFFFFFE0] =	vst v0  }
0x88: {  	[tilespmem:s3+$0xFFFFFFD0] =	vst v0  }
0x89: {  	[tilespmem:s3+$0xFFFFFFC0] =	vst v0  }
0x8a: {  	[tilespmem:s3+$0xFFFFFFB0] =	vst v0  }
0x8b: {  	[tilespmem:s3+$0xFFFFFFA0] =	vst v0  }
0x8c: {  	[tilespmem:s3+$0xFFFFFF90] =	vst v0  }
0x8d: {  	[tilespmem:s3+$0xFFFFFF80] =	vst v0  }
0x8e: {  	[tilespmem:s3+$0xFFFFFF70] =	vst v0  }
0x8f: {  	[tilespmem:s3+$0xFFFFFF60] =	vst v0  }
0x90: {  	[tilespmem:s3+$0xFFFFFF50] =	vst v0  }
0x91: {  	[tilespmem:s3+$0xFFFFFF40] =	vst v0  }
0x92: {  	s4 =	simm.s32 $0x7E00;
	[tilespmem:s3+$0xFFFFFF30] =	vst v0  }
.LBB2_9:
0x93: {  	s4 =	sadd.s32 $0x100, s4;
	[tilespmem:s3+$0xFFFFFF20] =	vst v0;
	s3 =	sadd.s32 $0x100, s3  }
0x94: {  	[tilespmem:s3+$0xFFFFFF10] =	vst v0;
	p0 =	slt.u32 s4, $0xBC00  }
0x95: {  	[tilespmem:s3+$0x0] =	vst v0  }
0x96: {  	[tilespmem:s3+$0xFFFFFFF0] =	vst v0  }
0x97: {  	[tilespmem:s3+$0xFFFFFFE0] =	vst v0  }
0x98: {  	[tilespmem:s3+$0xFFFFFFD0] =	vst v0  }
0x99: {  	[tilespmem:s3+$0xFFFFFFC0] =	vst v0  }
0x9a: {  	[tilespmem:s3+$0xFFFFFFB0] =	vst v0  }
0x9b: {  	[tilespmem:s3+$0xFFFFFFA0] =	vst v0  }
0x9c: {  	[tilespmem:s3+$0xFFFFFF90] =	vst v0  }
0x9d: {  	[tilespmem:s3+$0xFFFFFF80] =	vst v0  }
.Ltmp4:
0x9e: {  	[tilespmem:s3+$0xFFFFFF70] =	vst v0;
	(pc) =	sbr.rel @p0 .LBB2_9-.Ltmp4, $4  }
0x9f: {  	[tilespmem:s3+$0xFFFFFF60] =	vst v0  }
0xa0: {  	[tilespmem:s3+$0xFFFFFF50] =	vst v0  }
0xa1: {  	[tilespmem:s3+$0xFFFFFF40] =	vst v0  }
0xa2: {  	[tilespmem:s3+$0xFFFFFF30] =	vst v0  }
0xa3: {  	[tilespmem:s3+$0xFFFFFF20] =	vst v0;
	s30 =	simm.s32 $0x230  }
0xa4: {  	v1 =	vld [tilespmem:s30+$0xFFFFFFF0];
	_ =	sdelay $0x1  }
0xa5: {  	v2 =	vld [tilespmem:s30+$0xFFFFFFD0]  }
0xa6: {  	v0 =	vlaneseq.u32;
	v4 =	vld [tilespmem:s30+$0xFFFFFFE0]  }
0xa7: {  	s4 =	simm.s32 $0x85E0;
	v0 =	vmul.u32 $0x3F, v0;
	v5 =	vld [tilespmem:s30+$0x0]  }
0xa8: {  	s7 =	simm.s32 $0x270;
	v1 =	vadd.s32 s4, v1  }
0xa9: {  	s5 =	simm.s32 $0x7E00;
	v8 =	vld [tilespmem:s7+$0xFFFFFFF0];
	v9 =	vadd.s32 v0, v1  }
0xaa: {  	s9 =	simm.s32 $0x81F0;
	v2 =	vadd.s32 s5, v2  }
0xab: {  	s8 =	simm.s32 $0x89D0;
	v3 =	vld [tilespmem:s7+$0xFFFFFFD0];
	v4 =	vadd.s32 s9, v4;
	v2 =	vadd.s32 v0, v2  }
0xac: {  	s3 =	simm.s32 $0x400;
	s6 =	simm.s32 $0x240;
	v6 =	vld [tilespmem:s7+$0xFFFFFFE0];
	v5 =	vadd.s32 s8, v5;
	v4 =	vadd.s32 v0, v4  }
0xad: {  	s31 =	simm.s32 $0x95A0;
	v7 =	vld [tilespmem:s7+$0x0];
	s7 =	simm.s32 $0x2B0;
	s4 =	simm.s32 $0x9990;
	v1 =	vimm.f32 $1.000000000e+00;
	v5 =	vadd.s32 v0, v5  }
0xae: {  	s5 =	simm.s32 $0x91B0;
	s9 =	simm.s32 $0x8DC0;
	v8 =	vadd.s32 s31, v8;
	s8 =	simm.s32 $0xA950;
	[tilespmem:v9+s3+$0x0] =	vst.idx.msk $0xffff, v1  }
.LBB2_11:
0xaf: {  	s6 =	sadd.s32 $0x40, s6  }
0xb0: {  	s10 =	sadd.s32 $0xFFFFF820, s8;
	v9 =	vld [tilespmem:s7+$0xFFFFFFF0];
	v10 =	vadd.s32 s9, v3;
	v11 =	vadd.s32 v0, v8;
	[tilespmem:v2+s3+$0x0] =	vst.idx.msk $0xffff, v1;
	p0 =	slt.u32 s6, $0x2C0  }
.Ltmp5:
0xb1: {  	v3 =	vld [tilespmem:s7+$0xFFFFFFD0];
	v2 =	vadd.s32 v0, v10;
	v8 =	vadd.s32 s5, v6;
	[tilespmem:v4+s3+$0x0] =	vst.idx.msk $0xffff, v1;
	s5 =	smov.u32 s10;
	(pc) =	sbr.rel @p0 .LBB2_11-.Ltmp5, $4  }
0xb2: {  	v6 =	vld [tilespmem:s7+$0xFFFFFFE0];
	v4 =	vadd.s32 v0, v8;
	v8 =	vadd.s32 s4, v7;
	[tilespmem:v5+s3+$0x0] =	vst.idx.msk $0xffff, v1;
	s4 =	smov.u32 s8  }
0xb3: {  	v7 =	vld [tilespmem:s7+$0x0];
	v5 =	vadd.s32 v0, v8  }
0xb4: {  	s10 =	sadd.s32 $0xFFFFFC10, s8  }
0xb5: {  	s8 =	sadd.s32 $0xFC0, s8;
	s9 =	sadd.s32 $0xFFFFF430, s4;
	s7 =	sadd.s32 $0x40, s7;
	v8 =	vadd.s32 s10, v9;
	[tilespmem:v11+s3+$0x0] =	vst.idx.msk $0xffff, v1  }
0xb6: {  	_ =	sdelay $0x1  }
0xb7: {  	v3 =	vadd.s32 s9, v3;
	v8 =	vadd.s32 v0, v8  }
0xb8: {  	v3 =	vadd.s32 v0, v3;
	v6 =	vadd.s32 s5, v6  }
0xb9: {  	[tilespmem:v2+s3+$0x0] =	vst.idx.msk $0xffff, v1;
	v2 =	vadd.s32 v0, v6;
	v63 =	vadd.s32 s4, v7  }
0xba: {  	[tilespmem:v4+s3+$0x0] =	vst.idx.msk $0xffff, v1;
	v0 =	vadd.s32 v0, v63  }
0xbb: {  	[tilespmem:v5+s3+$0x0] =	vst.idx.msk $0xffff, v1  }
0xbc: {  	[tilespmem:v8+s3+$0x0] =	vst.idx.msk $0xffff, v1  }
0xbd: {  	[tilespmem:v3+s3+$0x0] =	vst.idx.msk $0xffff, v1  }
0xbe: {  	s29 =	sadd.s32 $0xFC0, s2;
	[tilespmem:v2+s3+$0x0] =	vst.idx.msk $0xffff, v1  }
0xbf: {  	s30 =	simm.s32 $0x0;
	s31 =	simm.s32 $0x8200;
	[tilespmem:v0+s3+$0x0] =	vst.idx.msk $0xffff, v1;
	s3 =	simm.s32 $0xC1F0  }
0xc0: {  	v0 =	vimm.f32 $0.0e+00;
	[hbm4b:s29+s30] =	stream.linear.scatter [tilespmem:s31], [sflag:$0x2], $0x3F00, $0x38;
	[tilespmem:$0x10000] =	vst v63  }
0xc1: {  	[tilespmem:s3+$0xFFFFFF10] =	vst v0  }
0xc2: {  	[tilespmem:s3+$0x0] =	vst v0  }
0xc3: {  	[tilespmem:s3+$0xFFFFFFF0] =	vst v0  }
0xc4: {  	[tilespmem:s3+$0xFFFFFFE0] =	vst v0  }
0xc5: {  	[tilespmem:s3+$0xFFFFFFD0] =	vst v0  }
0xc6: {  	[tilespmem:s3+$0xFFFFFFC0] =	vst v0  }
0xc7: {  	[tilespmem:s3+$0xFFFFFFB0] =	vst v0  }
0xc8: {  	[tilespmem:s3+$0xFFFFFFA0] =	vst v0  }
0xc9: {  	[tilespmem:s3+$0xFFFFFF90] =	vst v0  }
0xca: {  	[tilespmem:s3+$0xFFFFFF80] =	vst v0  }
0xcb: {  	[tilespmem:s3+$0xFFFFFF70] =	vst v0  }
0xcc: {  	[tilespmem:s3+$0xFFFFFF60] =	vst v0  }
0xcd: {  	[tilespmem:s3+$0xFFFFFF50] =	vst v0  }
0xce: {  	[tilespmem:s3+$0xFFFFFF40] =	vst v0  }
0xcf: {  	s4 =	simm.s32 $0xBD00;
	[tilespmem:s3+$0xFFFFFF30] =	vst v0  }
.LBB2_13:
0xd0: {  	s4 =	sadd.s32 $0x100, s4;
	[tilespmem:s3+$0xFFFFFF20] =	vst v0;
	s3 =	sadd.s32 $0x100, s3  }
0xd1: {  	[tilespmem:s3+$0xFFFFFF10] =	vst v0;
	p0 =	slt.u32 s4, $0xFB00  }
0xd2: {  	[tilespmem:s3+$0x0] =	vst v0  }
0xd3: {  	[tilespmem:s3+$0xFFFFFFF0] =	vst v0  }
0xd4: {  	[tilespmem:s3+$0xFFFFFFE0] =	vst v0  }
0xd5: {  	[tilespmem:s3+$0xFFFFFFD0] =	vst v0  }
0xd6: {  	[tilespmem:s3+$0xFFFFFFC0] =	vst v0  }
0xd7: {  	[tilespmem:s3+$0xFFFFFFB0] =	vst v0  }
0xd8: {  	[tilespmem:s3+$0xFFFFFFA0] =	vst v0  }
0xd9: {  	[tilespmem:s3+$0xFFFFFF90] =	vst v0  }
0xda: {  	[tilespmem:s3+$0xFFFFFF80] =	vst v0  }
.Ltmp6:
0xdb: {  	[tilespmem:s3+$0xFFFFFF70] =	vst v0;
	(pc) =	sbr.rel @p0 .LBB2_13-.Ltmp6, $4  }
0xdc: {  	[tilespmem:s3+$0xFFFFFF60] =	vst v0  }
0xdd: {  	[tilespmem:s3+$0xFFFFFF50] =	vst v0  }
0xde: {  	[tilespmem:s3+$0xFFFFFF40] =	vst v0  }
0xdf: {  	[tilespmem:s3+$0xFFFFFF30] =	vst v0  }
0xe0: {  	[tilespmem:s3+$0xFFFFFF20] =	vst v0;
	s30 =	simm.s32 $0x330  }
0xe1: {  	v1 =	vld [tilespmem:s30+$0xFFFFFFF0];
	_ =	sdelay $0x1  }
0xe2: {  	v2 =	vld [tilespmem:s30+$0xFFFFFFD0]  }
0xe3: {  	v0 =	vlaneseq.u32;
	v4 =	vld [tilespmem:s30+$0xFFFFFFE0]  }
0xe4: {  	s4 =	simm.s32 $0xC4E0;
	v0 =	vmul.u32 $0x3F, v0;
	v5 =	vld [tilespmem:s30+$0x0]  }
0xe5: {  	s7 =	simm.s32 $0x370;
	v1 =	vadd.s32 s4, v1  }
0xe6: {  	s5 =	simm.s32 $0xBD00;
	v8 =	vld [tilespmem:s7+$0xFFFFFFF0];
	v9 =	vadd.s32 v0, v1  }
0xe7: {  	s9 =	simm.s32 $0xC0F0;
	v2 =	vadd.s32 s5, v2  }
0xe8: {  	s8 =	simm.s32 $0xC8D0;
	v3 =	vld [tilespmem:s7+$0xFFFFFFD0];
	v4 =	vadd.s32 s9, v4;
	v2 =	vadd.s32 v0, v2  }
0xe9: {  	s3 =	simm.s32 $0x400;
	s6 =	simm.s32 $0x340;
	v6 =	vld [tilespmem:s7+$0xFFFFFFE0];
	v5 =	vadd.s32 s8, v5;
	v4 =	vadd.s32 v0, v4  }
0xea: {  	s31 =	simm.s32 $0xD4A0;
	v7 =	vld [tilespmem:s7+$0x0];
	s7 =	simm.s32 $0x3B0;
	s4 =	simm.s32 $0xD890;
	v1 =	vimm.f32 $1.000000000e+00;
	v5 =	vadd.s32 v0, v5  }
0xeb: {  	s5 =	simm.s32 $0xD0B0;
	s9 =	simm.s32 $0xCCC0;
	v8 =	vadd.s32 s31, v8;
	s8 =	simm.s32 $0xE850;
	[tilespmem:v9+s3+$0x0] =	vst.idx.msk $0xffff, v1  }
.LBB2_15:
0xec: {  	s6 =	sadd.s32 $0x40, s6  }
0xed: {  	s10 =	sadd.s32 $0xFFFFF820, s8;
	v9 =	vld [tilespmem:s7+$0xFFFFFFF0];
	v10 =	vadd.s32 s9, v3;
	v11 =	vadd.s32 v0, v8;
	[tilespmem:v2+s3+$0x0] =	vst.idx.msk $0xffff, v1;
	p0 =	slt.u32 s6, $0x3C0  }
.Ltmp7:
0xee: {  	v3 =	vld [tilespmem:s7+$0xFFFFFFD0];
	v2 =	vadd.s32 v0, v10;
	v8 =	vadd.s32 s5, v6;
	[tilespmem:v4+s3+$0x0] =	vst.idx.msk $0xffff, v1;
	s5 =	smov.u32 s10;
	(pc) =	sbr.rel @p0 .LBB2_15-.Ltmp7, $4  }
0xef: {  	v6 =	vld [tilespmem:s7+$0xFFFFFFE0];
	v4 =	vadd.s32 v0, v8;
	v8 =	vadd.s32 s4, v7;
	[tilespmem:v5+s3+$0x0] =	vst.idx.msk $0xffff, v1;
	s4 =	smov.u32 s8  }
0xf0: {  	v7 =	vld [tilespmem:s7+$0x0];
	v5 =	vadd.s32 v0, v8  }
0xf1: {  	s10 =	sadd.s32 $0xFFFFFC10, s8  }
0xf2: {  	s8 =	sadd.s32 $0xFC0, s8;
	s9 =	sadd.s32 $0xFFFFF430, s4;
	s7 =	sadd.s32 $0x40, s7;
	v8 =	vadd.s32 s10, v9;
	[tilespmem:v11+s3+$0x0] =	vst.idx.msk $0xffff, v1  }
0xf3: {  	_ =	sdelay $0x1  }
0xf4: {  	v3 =	vadd.s32 s9, v3;
	v8 =	vadd.s32 v0, v8  }
0xf5: {  	v3 =	vadd.s32 v0, v3;
	v6 =	vadd.s32 s5, v6  }
0xf6: {  	[tilespmem:v2+s3+$0x0] =	vst.idx.msk $0xffff, v1;
	v61 =	vadd.s32 v0, v6;
	v62 =	vadd.s32 s4, v7  }
0xf7: {  	[tilespmem:v4+s3+$0x0] =	vst.idx.msk $0xffff, v1;
	v63 =	vadd.s32 v0, v62  }
0xf8: {  	[tilespmem:v5+s3+$0x0] =	vst.idx.msk $0xffff, v1  }
0xf9: {  	[tilespmem:v8+s3+$0x0] =	vst.idx.msk $0xffff, v1  }
0xfa: {  	[tilespmem:v3+s3+$0x0] =	vst.idx.msk $0xffff, v1  }
0xfb: {  	s2 =	sadd.s32 $0x17A0, s2;
	[tilespmem:v61+s3+$0x0] =	vst.idx.msk $0xffff, v1  }
0xfc: {  	s29 =	simm.s32 $0x0;
	s30 =	simm.s32 $0xC100;
	s31 =	simm.s32 $0x2;
	[tilespmem:v63+s3+$0x0] =	vst.idx.msk $0xffff, v1  }
0xfd: {  	[hbm4b:s2+s29] =	stream.linear.scatter [tilespmem:s30], [sflag:$0x2], $0x3F00, $0x38;
	[tilespmem:$0x10000] =	vst v63  }
0xfe: {  	_ =	swait.ge [sflag:s31], $0x3F00  }
0xff: {  	[sflag:s31] =	ssyncset.done $0x0  }
0x100: {  	[sflag:s31] =	ssyncadd.s32 $0xFFFFC100  }
0x101: {  	_ =	swait.ge [sflag:s31], $0x3F00  }
0x102: {  	[sflag:s31] =	ssyncset.done $0x0  }
0x103: {  	[sflag:s31] =	ssyncadd.s32 $0xFFFFC100  }
0x104: {  	_ =	swait.ge [sflag:s31], $0x3F00  }
0x105: {  	[sflag:s31] =	ssyncset.done $0x0  }
0x106: {  	[sflag:s31] =	ssyncadd.s32 $0xFFFFC100  }
0x107: {  	_ =	swait.ge [sflag:s31], $0x3F00  }
0x108: {  	[sflag:s31] =	ssyncset.done $0x0  }
0x109: {  	[sflag:s31] =	ssyncadd.s32 $0xFFFFC100  }
0x10a: {  	_ =	sfence.sel $0x180000  }
0x10b: {  	[bflag:$0x0] =	sbarrier.arrive $0xFFFF  }
0x10c: {  	p0 =	sne.s32 s1, $0x0;
	_ =	strace $0x90000047  }
0x10d: {  	s0 =	sadd.s32 @!p0 $0x100000, s0;
	[bflag:$0x2] =	sbarrier.arrive $0xFFFF  }
0x10e: {  	[sflag:s0] =	ssyncadd.tile.s32 @!p0 $0x1;
	_ =	shalt  }
.Lfunc_end2:
_tile_overlayer_lowered:
.L_overlay_start_2:
0x10f: {  	(tag) =	ssettag $0x2  }
0x110: {  	s0 =	rddreg [dreg:$0x0];
	s2 =	stileid.u32  }
0x111: {  	s1 =	rddreg [dreg:$0x1];
	p0 =	sne.s32 s2, $0x0  }
0x112: {  	s3 =	rddreg [dreg:$0x2];
	[bflag:$0x3] =	sbarrier.arrive $0xFFFF;
	s2 =	simm.s32 @!p0 $0x1C03  }
0x113: {  	[timem:s3], [sflag:s2] =	dma.local @!p0 [hbm:s0], s1  }
0x114: {  	s0 =	simm.s32 @!p0 $0x3  }
0x115: {  	_ =	swait.ge @!p0 [sflag:s0], s1  }
0x116: {  	s1 =	ssub.s32 @!p0 $0x0, s1;
	[sflag:s0] =	ssyncset.done @!p0 $0x0  }
0x117: {  	[sflag:s0] =	ssyncadd.s32 @!p0 s1  }
0x118: {  	[bflag:$0x3] =	sbarrier.arrive $0xFFFF  }
0x119: {  	_ =	shalt  }

</sc_bundles>
